<compile_context>
chip_gen: v7x
topology: tpu7x:2x2x1
jax: 0.10.2.dev20260603
libtpu: 0.0.44.dev20260713+nightly
codegen_flags: <defaults>
</compile_context>

<pallas_src>
import functools

import jax
import jax.numpy as jnp
from jax import lax
from jax.experimental import pallas as pl
from jax.experimental.pallas import tpu as pltpu
from jax.experimental.pallas import tpu_sc as plsc

VOCAB = 128
DIM = 128
BATCH = 16384


@functools.cache
def _build():
    info = plsc.get_sparse_core_info()
    nc, ns = info.num_cores, info.num_subcores
    nw = nc * ns
    b_per_w = BATCH // nw
    chunk = 64
    nchunk = b_per_w // chunk

    mesh = plsc.VectorSubcoreMesh(core_axis_name="c", subcore_axis_name="s")

    @functools.partial(
        pl.kernel,
        mesh=mesh,
        out_type=jax.ShapeDtypeStruct((BATCH, DIM), jnp.float32),
        scratch_types=[
            pltpu.VMEM((b_per_w,), jnp.int32),
            pltpu.VMEM((chunk, DIM), jnp.float32),
            pltpu.VMEM((chunk, DIM), jnp.float32),
            pltpu.VMEM_SHARED((VOCAB, DIM), jnp.float32),
            pltpu.SemaphoreType.DMA,
            pltpu.SemaphoreType.DMA,
            pltpu.SemaphoreType.DMA,
            pltpu.SemaphoreType.DMA,
            pltpu.SemaphoreType.DMA,
            pltpu.SemaphoreType.DMA,
        ],
    )
    def gather_kernel(x_hbm, table_hbm, out_hbm, idx_v, rows0, rows1,
                      table_sh, g0, g1, w0, w1, isem, tsem):
        s = lax.axis_index("s")
        wid = s * nc + lax.axis_index("c")
        base = wid * b_per_w
        bufs = (rows0, rows1)
        gsems = (g0, g1)
        wsems = (w0, w1)
        tcopy = pltpu.make_async_copy(table_hbm, table_sh, tsem)

        @pl.when(s == 0)
        def _():
            tcopy.start()

        icopy = pltpu.make_async_copy(
            x_hbm.at[pl.ds(base + chunk, b_per_w - chunk)],
            idx_v.at[pl.ds(chunk, b_per_w - chunk)], isem)
        icopy.start()
        pltpu.sync_copy(x_hbm.at[pl.ds(base, chunk)], idx_v.at[pl.ds(0, chunk)])

        @pl.when(s == 0)
        def _():
            tcopy.wait()

        plsc.subcore_barrier()

        gcs = []
        wcs = []
        for k in range(nchunk):
            b = k % 2
            if k == 1:
                icopy.wait()
            if k >= 2:
                wcs[k - 2].wait()
            gc = pltpu.make_async_copy(
                table_sh.at[idx_v.at[pl.ds(k * chunk, chunk)]], bufs[b], gsems[b])
            gc.start()
            gcs.append(gc)
            if k >= 1:
                gcs[k - 1].wait()
                wc = pltpu.make_async_copy(
                    bufs[(k - 1) % 2], out_hbm.at[pl.ds(base + (k - 1) * chunk, chunk)],
                    wsems[(k - 1) % 2])
                wc.start()
                wcs.append(wc)
        gcs[-1].wait()
        wc = pltpu.make_async_copy(
            bufs[(nchunk - 1) % 2],
            out_hbm.at[pl.ds(base + (nchunk - 1) * chunk, chunk)],
            wsems[(nchunk - 1) % 2])
        wc.start()
        wcs.append(wc)
        wcs[-2].wait()
        wcs[-1].wait()

    return gather_kernel


def kernel(x, table):
    return _build()(x.astype(jnp.int32), table)

# --- scband reference (transcript-rebuilt; emitter-appended) ---
"""Pipeline reference for scband-description-38302518346492 (READ-ONLY COPY).

The authoritative reference and input builder live on the scoring server;
editing this copy changes nothing except your own understanding.
"""

import jax, jax.numpy as jnp
import numpy as np

VOCAB = 128
DIM = 128
BATCH = 16384

def setup_inputs(seed: int = 0) -> dict:
    key = jax.random.key(seed)
    k1, k2 = jax.random.split(key)
    # forward arg: token ids (vocab keys are ints 0..127 with identity vocab_idx mapping)
    x = jax.random.randint(k1, (BATCH,), 0, VOCAB, dtype=jnp.int64 if jax.config.read('jax_enable_x64') else jnp.int32)
    # learned parameter: embedding table [len(vocab), dim].
    # The torch module initializes it to zeros; we use random values so the
    # benchmark computation is non-trivial, shape/semantics are identical.
    table = jax.random.normal(k2, (VOCAB, DIM), dtype=jnp.float32)
    return {"x": x, "table": table}

def reference(x, table):
    # vocab_idx is identity (keys 0..127 enumerate to indices 0..127),
    # so idx == x; then nn.Embedding lookup == row gather from table.
    idx = x
    return jnp.take(table, idx, axis=0)

if __name__ == "__main__":
    import jax
    _d = setup_inputs()
    print(jax.jit(kernel)(*tuple(_d.values())))

</pallas_src>

<mosaic_0001>
#map = affine_map<(d0, d1) -> (0)>
#map1 = affine_map<(d0, d1) -> (0, 0)>
module attributes {stable_mosaic.version = 14 : i64} {
  func.func @gather_kernel(%arg0: i32, %arg1: i32, %arg2: memref<16384xi32, #tpu.memory_space<hbm>>, %arg3: memref<128x128xf32, #tpu.memory_space<hbm>>, %arg4: memref<16384x128xf32, #tpu.memory_space<hbm>>, %arg5: memref<512xi32, #tpu.memory_space<vmem>>, %arg6: memref<64x128xf32, #tpu.memory_space<vmem>>, %arg7: memref<64x128xf32, #tpu.memory_space<vmem>>, %arg8: memref<128x128xf32, #tpu.memory_space<vmem_shared>>, %arg9: memref<!tpu.dma_semaphore, #tpu.memory_space<semaphore_mem>>, %arg10: memref<!tpu.dma_semaphore, #tpu.memory_space<semaphore_mem>>, %arg11: memref<!tpu.dma_semaphore, #tpu.memory_space<semaphore_mem>>, %arg12: memref<!tpu.dma_semaphore, #tpu.memory_space<semaphore_mem>>, %arg13: memref<!tpu.dma_semaphore, #tpu.memory_space<semaphore_mem>>, %arg14: memref<!tpu.dma_semaphore, #tpu.memory_space<semaphore_mem>>) attributes {dimension_semantics = [#tpu.dimension_semantics<core_parallel>, #tpu.dimension_semantics<subcore_parallel>], iteration_bounds = array<i64: 2, 16>, scalar_prefetch = 0 : i64, scratch_operands = 10 : i64, tpu.core_type = #tpu.core_type<sc_vector_subcore>, window_params = [{transform_indices = #map}, {transform_indices = #map1}, {transform_indices = #map1}]} {
    %mul3A = arith.constant 2 : i32
    %mul3A_0 = arith.muli %arg1, %mul3A : i32
    %add3A = arith.addi %mul3A_0, %arg0 : i32
    %mul3A_1 = arith.constant 512 : i32
    %mul3A_2 = arith.muli %add3A, %mul3A_1 : i32
    %eq3A = arith.constant 0 : i32
    %eq3A_3 = arith.cmpi eq, %arg1, %eq3A : i32
    %convert_element_type3A = arith.extui %eq3A_3 : i1 to i32
    %cond3A = arith.constant 0 : i32
    %cond3A_4 = arith.cmpi ne, %convert_element_type3A, %cond3A : i32
    scf.if %cond3A_4 {
      tpu.enqueue_dma source(%arg3 : memref<128x128xf32, #tpu.memory_space<hbm>>) target(%arg8 : memref<128x128xf32, #tpu.memory_space<vmem_shared>>) target_semaphore(%arg14 : memref<!tpu.dma_semaphore, #tpu.memory_space<semaphore_mem>>)
    } else {
    }
    %add3A_5 = arith.constant 64 : i32
    %add3A_6 = arith.addi %mul3A_2, %add3A_5 : i32
    %dma_start3A = arith.constant 64 : i32
    %dma_start3A_7 = tpu.memref_slice %arg5[%dma_start3A] : memref<512xi32, #tpu.memory_space<vmem>> -> memref<448xi32, #tpu.memory_space<vmem>>
    %dma_start3A_8 = tpu.memref_slice %arg2[%add3A_6] : memref<16384xi32, #tpu.memory_space<hbm>> -> memref<448xi32, #tpu.memory_space<hbm>>
    %dma_start3A_9 = arith.constant 64 : i32
    %dma_start3A_10 = tpu.memref_slice %arg5[%dma_start3A_9] : memref<512xi32, #tpu.memory_space<vmem>> -> memref<448xi32, #tpu.memory_space<vmem>>
    %dma_start3A_11 = tpu.memref_slice %arg2[%add3A_6] : memref<16384xi32, #tpu.memory_space<hbm>> -> memref<448xi32, #tpu.memory_space<hbm>>
    tpu.enqueue_dma source(%dma_start3A_11 : memref<448xi32, #tpu.memory_space<hbm>>) target(%dma_start3A_10 : memref<448xi32, #tpu.memory_space<vmem>>) target_semaphore(%arg13 : memref<!tpu.dma_semaphore, #tpu.memory_space<semaphore_mem>>)
    "tpu.region"() ({
      %run_scoped3A = tpu.sem_alloc : memref<!tpu.dma_semaphore, #tpu.memory_space<semaphore_mem>>
      %dma_start3A_182 = arith.constant 0 : i32
      %dma_start3A_183 = tpu.memref_slice %arg5[%dma_start3A_182] : memref<512xi32, #tpu.memory_space<vmem>> -> memref<64xi32, #tpu.memory_space<vmem>>
      %dma_start3A_184 = tpu.memref_slice %arg2[%mul3A_2] : memref<16384xi32, #tpu.memory_space<hbm>> -> memref<64xi32, #tpu.memory_space<hbm>>
      %dma_start3A_185 = arith.constant 0 : i32
      %dma_start3A_186 = tpu.memref_slice %arg5[%dma_start3A_185] : memref<512xi32, #tpu.memory_space<vmem>> -> memref<64xi32, #tpu.memory_space<vmem>>
      %dma_start3A_187 = tpu.memref_slice %arg2[%mul3A_2] : memref<16384xi32, #tpu.memory_space<hbm>> -> memref<64xi32, #tpu.memory_space<hbm>>
      tpu.enqueue_dma source(%dma_start3A_187 : memref<64xi32, #tpu.memory_space<hbm>>) target(%dma_start3A_186 : memref<64xi32, #tpu.memory_space<vmem>>) target_semaphore(%run_scoped3A : memref<!tpu.dma_semaphore, #tpu.memory_space<semaphore_mem>>)
      %dma_wait3A_188 = arith.constant 0 : i32
      %dma_wait3A_189 = tpu.memref_slice %arg5[%dma_wait3A_188] : memref<512xi32, #tpu.memory_space<vmem>> -> memref<64xi32, #tpu.memory_space<vmem>>
      %dma_wait3A_190 = tpu.memref_slice %arg2[%mul3A_2] : memref<16384xi32, #tpu.memory_space<hbm>> -> memref<64xi32, #tpu.memory_space<hbm>>
      %dma_wait3A_191 = arith.constant 0 : i32
      %dma_wait3A_192 = tpu.memref_slice %arg5[%dma_wait3A_191] : memref<512xi32, #tpu.memory_space<vmem>> -> memref<64xi32, #tpu.memory_space<vmem>>
      %dma_wait3A_193 = tpu.memref_slice %arg2[%mul3A_2] : memref<16384xi32, #tpu.memory_space<hbm>> -> memref<64xi32, #tpu.memory_space<hbm>>
      tpu.wait_dma2 semaphore(%run_scoped3A : memref<!tpu.dma_semaphore, #tpu.memory_space<semaphore_mem>>) src(%dma_wait3A_193 : memref<64xi32, #tpu.memory_space<hbm>>) dst(%dma_wait3A_192 : memref<64xi32, #tpu.memory_space<vmem>>)
      tpu.yield
    }) : () -> ()
    %eq3A_12 = arith.constant 0 : i32
    %eq3A_13 = arith.cmpi eq, %arg1, %eq3A_12 : i32
    %convert_element_type3A_14 = arith.extui %eq3A_13 : i1 to i32
    %cond3A_15 = arith.constant 0 : i32
    %cond3A_16 = arith.cmpi ne, %convert_element_type3A_14, %cond3A_15 : i32
    scf.if %cond3A_16 {
      tpu.wait_dma2 semaphore(%arg14 : memref<!tpu.dma_semaphore, #tpu.memory_space<semaphore_mem>>) src(%arg3 : memref<128x128xf32, #tpu.memory_space<hbm>>) dst(%arg8 : memref<128x128xf32, #tpu.memory_space<vmem_shared>>)
    } else {
    }
    %barrier3A = arith.constant 0 : index
    tpu.barrier barrier_id(%barrier3A)
    %dma_start3A_17 = arith.constant 0 : i32
    %dma_start3A_18 = tpu.memref_slice %arg5[%dma_start3A_17] : memref<512xi32, #tpu.memory_space<vmem>> -> memref<64xi32, #tpu.memory_space<vmem>>
    %dma_start3A_19 = arith.constant 0 : i32
    %dma_start3A_20 = arith.constant 0 : i32
    %dma_start3A_21 = tpu.memref_slice %arg8[%dma_start3A_19, %dma_start3A_20] : memref<128x128xf32, #tpu.memory_space<vmem_shared>> -> memref<128x128xf32, #tpu.memory_space<vmem_shared>>
    tpu.enqueue_indirect_dma source(%dma_start3A_21 : memref<128x128xf32, #tpu.memory_space<vmem_shared>>) target(%arg6 : memref<64x128xf32, #tpu.memory_space<vmem>>) offsets(%dma_start3A_18 : memref<64xi32, #tpu.memory_space<vmem>>) semaphore(%arg9 : memref<!tpu.dma_semaphore, #tpu.memory_space<semaphore_mem>>)
    %dma_wait3A = arith.constant 64 : i32
    %dma_wait3A_22 = tpu.memref_slice %arg5[%dma_wait3A] : memref<512xi32, #tpu.memory_space<vmem>> -> memref<448xi32, #tpu.memory_space<vmem>>
    %dma_wait3A_23 = tpu.memref_slice %arg2[%add3A_6] : memref<16384xi32, #tpu.memory_space<hbm>> -> memref<448xi32, #tpu.memory_space<hbm>>
    %dma_wait3A_24 = arith.constant 64 : i32
    %dma_wait3A_25 = tpu.memref_slice %arg5[%dma_wait3A_24] : memref<512xi32, #tpu.memory_space<vmem>> -> memref<448xi32, #tpu.memory_space<vmem>>
    %dma_wait3A_26 = tpu.memref_slice %arg2[%add3A_6] : memref<16384xi32, #tpu.memory_space<hbm>> -> memref<448xi32, #tpu.memory_space<hbm>>
    tpu.wait_dma2 semaphore(%arg13 : memref<!tpu.dma_semaphore, #tpu.memory_space<semaphore_mem>>) src(%dma_wait3A_26 : memref<448xi32, #tpu.memory_space<hbm>>) dst(%dma_wait3A_25 : memref<448xi32, #tpu.memory_space<vmem>>)
    %dma_start3A_27 = arith.constant 64 : i32
    %dma_start3A_28 = tpu.memref_slice %arg5[%dma_start3A_27] : memref<512xi32, #tpu.memory_space<vmem>> -> memref<64xi32, #tpu.memory_space<vmem>>
    %dma_start3A_29 = arith.constant 0 : i32
    %dma_start3A_30 = arith.constant 0 : i32
    %dma_start3A_31 = tpu.memref_slice %arg8[%dma_start3A_29, %dma_start3A_30] : memref<128x128xf32, #tpu.memory_space<vmem_shared>> -> memref<128x128xf32, #tpu.memory_space<vmem_shared>>
    tpu.enqueue_indirect_dma source(%dma_start3A_31 : memref<128x128xf32, #tpu.memory_space<vmem_shared>>) target(%arg7 : memref<64x128xf32, #tpu.memory_space<vmem>>) offsets(%dma_start3A_28 : memref<64xi32, #tpu.memory_space<vmem>>) semaphore(%arg10 : memref<!tpu.dma_semaphore, #tpu.memory_space<semaphore_mem>>)
    %dma_wait3A_32 = arith.constant 0 : i32
    %dma_wait3A_33 = tpu.memref_slice %arg5[%dma_wait3A_32] : memref<512xi32, #tpu.memory_space<vmem>> -> memref<64xi32, #tpu.memory_space<vmem>>
    %dma_wait3A_34 = arith.constant 0 : i32
    %dma_wait3A_35 = arith.constant 0 : i32
    %dma_wait3A_36 = tpu.memref_slice %arg8[%dma_wait3A_34, %dma_wait3A_35] : memref<128x128xf32, #tpu.memory_space<vmem_shared>> -> memref<128x128xf32, #tpu.memory_space<vmem_shared>>
    tpu.wait_indirect_dma semaphore(%arg9 : memref<!tpu.dma_semaphore, #tpu.memory_space<semaphore_mem>>) src(%dma_wait3A_36 : memref<128x128xf32, #tpu.memory_space<vmem_shared>>) dst(%arg6 : memref<64x128xf32, #tpu.memory_space<vmem>>)
    %add3A_37 = arith.constant 0 : i32
    %add3A_38 = arith.addi %mul3A_2, %add3A_37 : i32
    %dma_start3A_39 = arith.constant 0 : i32
    %dma_start3A_40 = tpu.memref_slice %arg4[%add3A_38, %dma_start3A_39] : memref<16384x128xf32, #tpu.memory_space<hbm>> -> memref<64x128xf32, #tpu.memory_space<hbm>>
    %dma_start3A_41 = arith.constant 0 : i32
    %dma_start3A_42 = tpu.memref_slice %arg4[%add3A_38, %dma_start3A_41] : memref<16384x128xf32, #tpu.memory_space<hbm>> -> memref<64x128xf32, #tpu.memory_space<hbm>>
    tpu.enqueue_dma source(%arg6 : memref<64x128xf32, #tpu.memory_space<vmem>>) target(%dma_start3A_42 : memref<64x128xf32, #tpu.memory_space<hbm>>) target_semaphore(%arg11 : memref<!tpu.dma_semaphore, #tpu.memory_space<semaphore_mem>>)
    %dma_wait3A_43 = arith.constant 0 : i32
    %dma_wait3A_44 = tpu.memref_slice %arg4[%add3A_38, %dma_wait3A_43] : memref<16384x128xf32, #tpu.memory_space<hbm>> -> memref<64x128xf32, #tpu.memory_space<hbm>>
    %dma_wait3A_45 = arith.constant 0 : i32
    %dma_wait3A_46 = tpu.memref_slice %arg4[%add3A_38, %dma_wait3A_45] : memref<16384x128xf32, #tpu.memory_space<hbm>> -> memref<64x128xf32, #tpu.memory_space<hbm>>
    tpu.wait_dma2 semaphore(%arg11 : memref<!tpu.dma_semaphore, #tpu.memory_space<semaphore_mem>>) src(%arg6 : memref<64x128xf32, #tpu.memory_space<vmem>>) dst(%dma_wait3A_46 : memref<64x128xf32, #tpu.memory_space<hbm>>)
    %dma_start3A_47 = arith.constant 128 : i32
    %dma_start3A_48 = tpu.memref_slice %arg5[%dma_start3A_47] : memref<512xi32, #tpu.memory_space<vmem>> -> memref<64xi32, #tpu.memory_space<vmem>>
    %dma_start3A_49 = arith.constant 0 : i32
    %dma_start3A_50 = arith.constant 0 : i32
    %dma_start3A_51 = tpu.memref_slice %arg8[%dma_start3A_49, %dma_start3A_50] : memref<128x128xf32, #tpu.memory_space<vmem_shared>> -> memref<128x128xf32, #tpu.memory_space<vmem_shared>>
    tpu.enqueue_indirect_dma source(%dma_start3A_51 : memref<128x128xf32, #tpu.memory_space<vmem_shared>>) target(%arg6 : memref<64x128xf32, #tpu.memory_space<vmem>>) offsets(%dma_start3A_48 : memref<64xi32, #tpu.memory_space<vmem>>) semaphore(%arg9 : memref<!tpu.dma_semaphore, #tpu.memory_space<semaphore_mem>>)
    %dma_wait3A_52 = arith.constant 64 : i32
    %dma_wait3A_53 = tpu.memref_slice %arg5[%dma_wait3A_52] : memref<512xi32, #tpu.memory_space<vmem>> -> memref<64xi32, #tpu.memory_space<vmem>>
    %dma_wait3A_54 = arith.constant 0 : i32
    %dma_wait3A_55 = arith.constant 0 : i32
    %dma_wait3A_56 = tpu.memref_slice %arg8[%dma_wait3A_54, %dma_wait3A_55] : memref<128x128xf32, #tpu.memory_space<vmem_shared>> -> memref<128x128xf32, #tpu.memory_space<vmem_shared>>
    tpu.wait_indirect_dma semaphore(%arg10 : memref<!tpu.dma_semaphore, #tpu.memory_space<semaphore_mem>>) src(%dma_wait3A_56 : memref<128x128xf32, #tpu.memory_space<vmem_shared>>) dst(%arg7 : memref<64x128xf32, #tpu.memory_space<vmem>>)
    %add3A_57 = arith.constant 64 : i32
    %add3A_58 = arith.addi %mul3A_2, %add3A_57 : i32
    %dma_start3A_59 = arith.constant 0 : i32
    %dma_start3A_60 = tpu.memref_slice %arg4[%add3A_58, %dma_start3A_59] : memref<16384x128xf32, #tpu.memory_space<hbm>> -> memref<64x128xf32, #tpu.memory_space<hbm>>
    %dma_start3A_61 = arith.constant 0 : i32
    %dma_start3A_62 = tpu.memref_slice %arg4[%add3A_58, %dma_start3A_61] : memref<16384x128xf32, #tpu.memory_space<hbm>> -> memref<64x128xf32, #tpu.memory_space<hbm>>
    tpu.enqueue_dma source(%arg7 : memref<64x128xf32, #tpu.memory_space<vmem>>) target(%dma_start3A_62 : memref<64x128xf32, #tpu.memory_space<hbm>>) target_semaphore(%arg12 : memref<!tpu.dma_semaphore, #tpu.memory_space<semaphore_mem>>)
    %dma_wait3A_63 = arith.constant 0 : i32
    %dma_wait3A_64 = tpu.memref_slice %arg4[%add3A_58, %dma_wait3A_63] : memref<16384x128xf32, #tpu.memory_space<hbm>> -> memref<64x128xf32, #tpu.memory_space<hbm>>
    %dma_wait3A_65 = arith.constant 0 : i32
    %dma_wait3A_66 = tpu.memref_slice %arg4[%add3A_58, %dma_wait3A_65] : memref<16384x128xf32, #tpu.memory_space<hbm>> -> memref<64x128xf32, #tpu.memory_space<hbm>>
    tpu.wait_dma2 semaphore(%arg12 : memref<!tpu.dma_semaphore, #tpu.memory_space<semaphore_mem>>) src(%arg7 : memref<64x128xf32, #tpu.memory_space<vmem>>) dst(%dma_wait3A_66 : memref<64x128xf32, #tpu.memory_space<hbm>>)
    %dma_start3A_67 = arith.constant 192 : i32
    %dma_start3A_68 = tpu.memref_slice %arg5[%dma_start3A_67] : memref<512xi32, #tpu.memory_space<vmem>> -> memref<64xi32, #tpu.memory_space<vmem>>
    %dma_start3A_69 = arith.constant 0 : i32
    %dma_start3A_70 = arith.constant 0 : i32
    %dma_start3A_71 = tpu.memref_slice %arg8[%dma_start3A_69, %dma_start3A_70] : memref<128x128xf32, #tpu.memory_space<vmem_shared>> -> memref<128x128xf32, #tpu.memory_space<vmem_shared>>
    tpu.enqueue_indirect_dma source(%dma_start3A_71 : memref<128x128xf32, #tpu.memory_space<vmem_shared>>) target(%arg7 : memref<64x128xf32, #tpu.memory_space<vmem>>) offsets(%dma_start3A_68 : memref<64xi32, #tpu.memory_space<vmem>>) semaphore(%arg10 : memref<!tpu.dma_semaphore, #tpu.memory_space<semaphore_mem>>)
    %dma_wait3A_72 = arith.constant 128 : i32
    %dma_wait3A_73 = tpu.memref_slice %arg5[%dma_wait3A_72] : memref<512xi32, #tpu.memory_space<vmem>> -> memref<64xi32, #tpu.memory_space<vmem>>
    %dma_wait3A_74 = arith.constant 0 : i32
    %dma_wait3A_75 = arith.constant 0 : i32
    %dma_wait3A_76 = tpu.memref_slice %arg8[%dma_wait3A_74, %dma_wait3A_75] : memref<128x128xf32, #tpu.memory_space<vmem_shared>> -> memref<128x128xf32, #tpu.memory_space<vmem_shared>>
    tpu.wait_indirect_dma semaphore(%arg9 : memref<!tpu.dma_semaphore, #tpu.memory_space<semaphore_mem>>) src(%dma_wait3A_76 : memref<128x128xf32, #tpu.memory_space<vmem_shared>>) dst(%arg6 : memref<64x128xf32, #tpu.memory_space<vmem>>)
    %add3A_77 = arith.constant 128 : i32
    %add3A_78 = arith.addi %mul3A_2, %add3A_77 : i32
    %dma_start3A_79 = arith.constant 0 : i32
    %dma_start3A_80 = tpu.memref_slice %arg4[%add3A_78, %dma_start3A_79] : memref<16384x128xf32, #tpu.memory_space<hbm>> -> memref<64x128xf32, #tpu.memory_space<hbm>>
    %dma_start3A_81 = arith.constant 0 : i32
    %dma_start3A_82 = tpu.memref_slice %arg4[%add3A_78, %dma_start3A_81] : memref<16384x128xf32, #tpu.memory_space<hbm>> -> memref<64x128xf32, #tpu.memory_space<hbm>>
    tpu.enqueue_dma source(%arg6 : memref<64x128xf32, #tpu.memory_space<vmem>>) target(%dma_start3A_82 : memref<64x128xf32, #tpu.memory_space<hbm>>) target_semaphore(%arg11 : memref<!tpu.dma_semaphore, #tpu.memory_space<semaphore_mem>>)
    %dma_wait3A_83 = arith.constant 0 : i32
    %dma_wait3A_84 = tpu.memref_slice %arg4[%add3A_78, %dma_wait3A_83] : memref<16384x128xf32, #tpu.memory_space<hbm>> -> memref<64x128xf32, #tpu.memory_space<hbm>>
    %dma_wait3A_85 = arith.constant 0 : i32
    %dma_wait3A_86 = tpu.memref_slice %arg4[%add3A_78, %dma_wait3A_85] : memref<16384x128xf32, #tpu.memory_space<hbm>> -> memref<64x128xf32, #tpu.memory_space<hbm>>
    tpu.wait_dma2 semaphore(%arg11 : memref<!tpu.dma_semaphore, #tpu.memory_space<semaphore_mem>>) src(%arg6 : memref<64x128xf32, #tpu.memory_space<vmem>>) dst(%dma_wait3A_86 : memref<64x128xf32, #tpu.memory_space<hbm>>)
    %dma_start3A_87 = arith.constant 256 : i32
    %dma_start3A_88 = tpu.memref_slice %arg5[%dma_start3A_87] : memref<512xi32, #tpu.memory_space<vmem>> -> memref<64xi32, #tpu.memory_space<vmem>>
    %dma_start3A_89 = arith.constant 0 : i32
    %dma_start3A_90 = arith.constant 0 : i32
    %dma_start3A_91 = tpu.memref_slice %arg8[%dma_start3A_89, %dma_start3A_90] : memref<128x128xf32, #tpu.memory_space<vmem_shared>> -> memref<128x128xf32, #tpu.memory_space<vmem_shared>>
    tpu.enqueue_indirect_dma source(%dma_start3A_91 : memref<128x128xf32, #tpu.memory_space<vmem_shared>>) target(%arg6 : memref<64x128xf32, #tpu.memory_space<vmem>>) offsets(%dma_start3A_88 : memref<64xi32, #tpu.memory_space<vmem>>) semaphore(%arg9 : memref<!tpu.dma_semaphore, #tpu.memory_space<semaphore_mem>>)
    %dma_wait3A_92 = arith.constant 192 : i32
    %dma_wait3A_93 = tpu.memref_slice %arg5[%dma_wait3A_92] : memref<512xi32, #tpu.memory_space<vmem>> -> memref<64xi32, #tpu.memory_space<vmem>>
    %dma_wait3A_94 = arith.constant 0 : i32
    %dma_wait3A_95 = arith.constant 0 : i32
    %dma_wait3A_96 = tpu.memref_slice %arg8[%dma_wait3A_94, %dma_wait3A_95] : memref<128x128xf32, #tpu.memory_space<vmem_shared>> -> memref<128x128xf32, #tpu.memory_space<vmem_shared>>
    tpu.wait_indirect_dma semaphore(%arg10 : memref<!tpu.dma_semaphore, #tpu.memory_space<semaphore_mem>>) src(%dma_wait3A_96 : memref<128x128xf32, #tpu.memory_space<vmem_shared>>) dst(%arg7 : memref<64x128xf32, #tpu.memory_space<vmem>>)
    %add3A_97 = arith.constant 192 : i32
    %add3A_98 = arith.addi %mul3A_2, %add3A_97 : i32
    %dma_start3A_99 = arith.constant 0 : i32
    %dma_start3A_100 = tpu.memref_slice %arg4[%add3A_98, %dma_start3A_99] : memref<16384x128xf32, #tpu.memory_space<hbm>> -> memref<64x128xf32, #tpu.memory_space<hbm>>
    %dma_start3A_101 = arith.constant 0 : i32
    %dma_start3A_102 = tpu.memref_slice %arg4[%add3A_98, %dma_start3A_101] : memref<16384x128xf32, #tpu.memory_space<hbm>> -> memref<64x128xf32, #tpu.memory_space<hbm>>
    tpu.enqueue_dma source(%arg7 : memref<64x128xf32, #tpu.memory_space<vmem>>) target(%dma_start3A_102 : memref<64x128xf32, #tpu.memory_space<hbm>>) target_semaphore(%arg12 : memref<!tpu.dma_semaphore, #tpu.memory_space<semaphore_mem>>)
    %dma_wait3A_103 = arith.constant 0 : i32
    %dma_wait3A_104 = tpu.memref_slice %arg4[%add3A_98, %dma_wait3A_103] : memref<16384x128xf32, #tpu.memory_space<hbm>> -> memref<64x128xf32, #tpu.memory_space<hbm>>
    %dma_wait3A_105 = arith.constant 0 : i32
    %dma_wait3A_106 = tpu.memref_slice %arg4[%add3A_98, %dma_wait3A_105] : memref<16384x128xf32, #tpu.memory_space<hbm>> -> memref<64x128xf32, #tpu.memory_space<hbm>>
    tpu.wait_dma2 semaphore(%arg12 : memref<!tpu.dma_semaphore, #tpu.memory_space<semaphore_mem>>) src(%arg7 : memref<64x128xf32, #tpu.memory_space<vmem>>) dst(%dma_wait3A_106 : memref<64x128xf32, #tpu.memory_space<hbm>>)
    %dma_start3A_107 = arith.constant 320 : i32
    %dma_start3A_108 = tpu.memref_slice %arg5[%dma_start3A_107] : memref<512xi32, #tpu.memory_space<vmem>> -> memref<64xi32, #tpu.memory_space<vmem>>
    %dma_start3A_109 = arith.constant 0 : i32
    %dma_start3A_110 = arith.constant 0 : i32
    %dma_start3A_111 = tpu.memref_slice %arg8[%dma_start3A_109, %dma_start3A_110] : memref<128x128xf32, #tpu.memory_space<vmem_shared>> -> memref<128x128xf32, #tpu.memory_space<vmem_shared>>
    tpu.enqueue_indirect_dma source(%dma_start3A_111 : memref<128x128xf32, #tpu.memory_space<vmem_shared>>) target(%arg7 : memref<64x128xf32, #tpu.memory_space<vmem>>) offsets(%dma_start3A_108 : memref<64xi32, #tpu.memory_space<vmem>>) semaphore(%arg10 : memref<!tpu.dma_semaphore, #tpu.memory_space<semaphore_mem>>)
    %dma_wait3A_112 = arith.constant 256 : i32
    %dma_wait3A_113 = tpu.memref_slice %arg5[%dma_wait3A_112] : memref<512xi32, #tpu.memory_space<vmem>> -> memref<64xi32, #tpu.memory_space<vmem>>
    %dma_wait3A_114 = arith.constant 0 : i32
    %dma_wait3A_115 = arith.constant 0 : i32
    %dma_wait3A_116 = tpu.memref_slice %arg8[%dma_wait3A_114, %dma_wait3A_115] : memref<128x128xf32, #tpu.memory_space<vmem_shared>> -> memref<128x128xf32, #tpu.memory_space<vmem_shared>>
    tpu.wait_indirect_dma semaphore(%arg9 : memref<!tpu.dma_semaphore, #tpu.memory_space<semaphore_mem>>) src(%dma_wait3A_116 : memref<128x128xf32, #tpu.memory_space<vmem_shared>>) dst(%arg6 : memref<64x128xf32, #tpu.memory_space<vmem>>)
    %add3A_117 = arith.constant 256 : i32
    %add3A_118 = arith.addi %mul3A_2, %add3A_117 : i32
    %dma_start3A_119 = arith.constant 0 : i32
    %dma_start3A_120 = tpu.memref_slice %arg4[%add3A_118, %dma_start3A_119] : memref<16384x128xf32, #tpu.memory_space<hbm>> -> memref<64x128xf32, #tpu.memory_space<hbm>>
    %dma_start3A_121 = arith.constant 0 : i32
    %dma_start3A_122 = tpu.memref_slice %arg4[%add3A_118, %dma_start3A_121] : memref<16384x128xf32, #tpu.memory_space<hbm>> -> memref<64x128xf32, #tpu.memory_space<hbm>>
    tpu.enqueue_dma source(%arg6 : memref<64x128xf32, #tpu.memory_space<vmem>>) target(%dma_start3A_122 : memref<64x128xf32, #tpu.memory_space<hbm>>) target_semaphore(%arg11 : memref<!tpu.dma_semaphore, #tpu.memory_space<semaphore_mem>>)
    %dma_wait3A_123 = arith.constant 0 : i32
    %dma_wait3A_124 = tpu.memref_slice %arg4[%add3A_118, %dma_wait3A_123] : memref<16384x128xf32, #tpu.memory_space<hbm>> -> memref<64x128xf32, #tpu.memory_space<hbm>>
    %dma_wait3A_125 = arith.constant 0 : i32
    %dma_wait3A_126 = tpu.memref_slice %arg4[%add3A_118, %dma_wait3A_125] : memref<16384x128xf32, #tpu.memory_space<hbm>> -> memref<64x128xf32, #tpu.memory_space<hbm>>
    tpu.wait_dma2 semaphore(%arg11 : memref<!tpu.dma_semaphore, #tpu.memory_space<semaphore_mem>>) src(%arg6 : memref<64x128xf32, #tpu.memory_space<vmem>>) dst(%dma_wait3A_126 : memref<64x128xf32, #tpu.memory_space<hbm>>)
    %dma_start3A_127 = arith.constant 384 : i32
    %dma_start3A_128 = tpu.memref_slice %arg5[%dma_start3A_127] : memref<512xi32, #tpu.memory_space<vmem>> -> memref<64xi32, #tpu.memory_space<vmem>>
    %dma_start3A_129 = arith.constant 0 : i32
    %dma_start3A_130 = arith.constant 0 : i32
    %dma_start3A_131 = tpu.memref_slice %arg8[%dma_start3A_129, %dma_start3A_130] : memref<128x128xf32, #tpu.memory_space<vmem_shared>> -> memref<128x128xf32, #tpu.memory_space<vmem_shared>>
    tpu.enqueue_indirect_dma source(%dma_start3A_131 : memref<128x128xf32, #tpu.memory_space<vmem_shared>>) target(%arg6 : memref<64x128xf32, #tpu.memory_space<vmem>>) offsets(%dma_start3A_128 : memref<64xi32, #tpu.memory_space<vmem>>) semaphore(%arg9 : memref<!tpu.dma_semaphore, #tpu.memory_space<semaphore_mem>>)
    %dma_wait3A_132 = arith.constant 320 : i32
    %dma_wait3A_133 = tpu.memref_slice %arg5[%dma_wait3A_132] : memref<512xi32, #tpu.memory_space<vmem>> -> memref<64xi32, #tpu.memory_space<vmem>>
    %dma_wait3A_134 = arith.constant 0 : i32
    %dma_wait3A_135 = arith.constant 0 : i32
    %dma_wait3A_136 = tpu.memref_slice %arg8[%dma_wait3A_134, %dma_wait3A_135] : memref<128x128xf32, #tpu.memory_space<vmem_shared>> -> memref<128x128xf32, #tpu.memory_space<vmem_shared>>
    tpu.wait_indirect_dma semaphore(%arg10 : memref<!tpu.dma_semaphore, #tpu.memory_space<semaphore_mem>>) src(%dma_wait3A_136 : memref<128x128xf32, #tpu.memory_space<vmem_shared>>) dst(%arg7 : memref<64x128xf32, #tpu.memory_space<vmem>>)
    %add3A_137 = arith.constant 320 : i32
    %add3A_138 = arith.addi %mul3A_2, %add3A_137 : i32
    %dma_start3A_139 = arith.constant 0 : i32
    %dma_start3A_140 = tpu.memref_slice %arg4[%add3A_138, %dma_start3A_139] : memref<16384x128xf32, #tpu.memory_space<hbm>> -> memref<64x128xf32, #tpu.memory_space<hbm>>
    %dma_start3A_141 = arith.constant 0 : i32
    %dma_start3A_142 = tpu.memref_slice %arg4[%add3A_138, %dma_start3A_141] : memref<16384x128xf32, #tpu.memory_space<hbm>> -> memref<64x128xf32, #tpu.memory_space<hbm>>
    tpu.enqueue_dma source(%arg7 : memref<64x128xf32, #tpu.memory_space<vmem>>) target(%dma_start3A_142 : memref<64x128xf32, #tpu.memory_space<hbm>>) target_semaphore(%arg12 : memref<!tpu.dma_semaphore, #tpu.memory_space<semaphore_mem>>)
    %dma_wait3A_143 = arith.constant 0 : i32
    %dma_wait3A_144 = tpu.memref_slice %arg4[%add3A_138, %dma_wait3A_143] : memref<16384x128xf32, #tpu.memory_space<hbm>> -> memref<64x128xf32, #tpu.memory_space<hbm>>
    %dma_wait3A_145 = arith.constant 0 : i32
    %dma_wait3A_146 = tpu.memref_slice %arg4[%add3A_138, %dma_wait3A_145] : memref<16384x128xf32, #tpu.memory_space<hbm>> -> memref<64x128xf32, #tpu.memory_space<hbm>>
    tpu.wait_dma2 semaphore(%arg12 : memref<!tpu.dma_semaphore, #tpu.memory_space<semaphore_mem>>) src(%arg7 : memref<64x128xf32, #tpu.memory_space<vmem>>) dst(%dma_wait3A_146 : memref<64x128xf32, #tpu.memory_space<hbm>>)
    %dma_start3A_147 = arith.constant 448 : i32
    %dma_start3A_148 = tpu.memref_slice %arg5[%dma_start3A_147] : memref<512xi32, #tpu.memory_space<vmem>> -> memref<64xi32, #tpu.memory_space<vmem>>
    %dma_start3A_149 = arith.constant 0 : i32
    %dma_start3A_150 = arith.constant 0 : i32
    %dma_start3A_151 = tpu.memref_slice %arg8[%dma_start3A_149, %dma_start3A_150] : memref<128x128xf32, #tpu.memory_space<vmem_shared>> -> memref<128x128xf32, #tpu.memory_space<vmem_shared>>
    tpu.enqueue_indirect_dma source(%dma_start3A_151 : memref<128x128xf32, #tpu.memory_space<vmem_shared>>) target(%arg7 : memref<64x128xf32, #tpu.memory_space<vmem>>) offsets(%dma_start3A_148 : memref<64xi32, #tpu.memory_space<vmem>>) semaphore(%arg10 : memref<!tpu.dma_semaphore, #tpu.memory_space<semaphore_mem>>)
    %dma_wait3A_152 = arith.constant 384 : i32
    %dma_wait3A_153 = tpu.memref_slice %arg5[%dma_wait3A_152] : memref<512xi32, #tpu.memory_space<vmem>> -> memref<64xi32, #tpu.memory_space<vmem>>
    %dma_wait3A_154 = arith.constant 0 : i32
    %dma_wait3A_155 = arith.constant 0 : i32
    %dma_wait3A_156 = tpu.memref_slice %arg8[%dma_wait3A_154, %dma_wait3A_155] : memref<128x128xf32, #tpu.memory_space<vmem_shared>> -> memref<128x128xf32, #tpu.memory_space<vmem_shared>>
    tpu.wait_indirect_dma semaphore(%arg9 : memref<!tpu.dma_semaphore, #tpu.memory_space<semaphore_mem>>) src(%dma_wait3A_156 : memref<128x128xf32, #tpu.memory_space<vmem_shared>>) dst(%arg6 : memref<64x128xf32, #tpu.memory_space<vmem>>)
    %add3A_157 = arith.constant 384 : i32
    %add3A_158 = arith.addi %mul3A_2, %add3A_157 : i32
    %dma_start3A_159 = arith.constant 0 : i32
    %dma_start3A_160 = tpu.memref_slice %arg4[%add3A_158, %dma_start3A_159] : memref<16384x128xf32, #tpu.memory_space<hbm>> -> memref<64x128xf32, #tpu.memory_space<hbm>>
    %dma_start3A_161 = arith.constant 0 : i32
    %dma_start3A_162 = tpu.memref_slice %arg4[%add3A_158, %dma_start3A_161] : memref<16384x128xf32, #tpu.memory_space<hbm>> -> memref<64x128xf32, #tpu.memory_space<hbm>>
    tpu.enqueue_dma source(%arg6 : memref<64x128xf32, #tpu.memory_space<vmem>>) target(%dma_start3A_162 : memref<64x128xf32, #tpu.memory_space<hbm>>) target_semaphore(%arg11 : memref<!tpu.dma_semaphore, #tpu.memory_space<semaphore_mem>>)
    %dma_wait3A_163 = arith.constant 448 : i32
    %dma_wait3A_164 = tpu.memref_slice %arg5[%dma_wait3A_163] : memref<512xi32, #tpu.memory_space<vmem>> -> memref<64xi32, #tpu.memory_space<vmem>>
    %dma_wait3A_165 = arith.constant 0 : i32
    %dma_wait3A_166 = arith.constant 0 : i32
    %dma_wait3A_167 = tpu.memref_slice %arg8[%dma_wait3A_165, %dma_wait3A_166] : memref<128x128xf32, #tpu.memory_space<vmem_shared>> -> memref<128x128xf32, #tpu.memory_space<vmem_shared>>
    tpu.wait_indirect_dma semaphore(%arg10 : memref<!tpu.dma_semaphore, #tpu.memory_space<semaphore_mem>>) src(%dma_wait3A_167 : memref<128x128xf32, #tpu.memory_space<vmem_shared>>) dst(%arg7 : memref<64x128xf32, #tpu.memory_space<vmem>>)
    %add3A_168 = arith.constant 448 : i32
    %add3A_169 = arith.addi %mul3A_2, %add3A_168 : i32
    %dma_start3A_170 = arith.constant 0 : i32
    %dma_start3A_171 = tpu.memref_slice %arg4[%add3A_169, %dma_start3A_170] : memref<16384x128xf32, #tpu.memory_space<hbm>> -> memref<64x128xf32, #tpu.memory_space<hbm>>
    %dma_start3A_172 = arith.constant 0 : i32
    %dma_start3A_173 = tpu.memref_slice %arg4[%add3A_169, %dma_start3A_172] : memref<16384x128xf32, #tpu.memory_space<hbm>> -> memref<64x128xf32, #tpu.memory_space<hbm>>
    tpu.enqueue_dma source(%arg7 : memref<64x128xf32, #tpu.memory_space<vmem>>) target(%dma_start3A_173 : memref<64x128xf32, #tpu.memory_space<hbm>>) target_semaphore(%arg12 : memref<!tpu.dma_semaphore, #tpu.memory_space<semaphore_mem>>)
    %dma_wait3A_174 = arith.constant 0 : i32
    %dma_wait3A_175 = tpu.memref_slice %arg4[%add3A_158, %dma_wait3A_174] : memref<16384x128xf32, #tpu.memory_space<hbm>> -> memref<64x128xf32, #tpu.memory_space<hbm>>
    %dma_wait3A_176 = arith.constant 0 : i32
    %dma_wait3A_177 = tpu.memref_slice %arg4[%add3A_158, %dma_wait3A_176] : memref<16384x128xf32, #tpu.memory_space<hbm>> -> memref<64x128xf32, #tpu.memory_space<hbm>>
    tpu.wait_dma2 semaphore(%arg11 : memref<!tpu.dma_semaphore, #tpu.memory_space<semaphore_mem>>) src(%arg6 : memref<64x128xf32, #tpu.memory_space<vmem>>) dst(%dma_wait3A_177 : memref<64x128xf32, #tpu.memory_space<hbm>>)
    %dma_wait3A_178 = arith.constant 0 : i32
    %dma_wait3A_179 = tpu.memref_slice %arg4[%add3A_169, %dma_wait3A_178] : memref<16384x128xf32, #tpu.memory_space<hbm>> -> memref<64x128xf32, #tpu.memory_space<hbm>>
    %dma_wait3A_180 = arith.constant 0 : i32
    %dma_wait3A_181 = tpu.memref_slice %arg4[%add3A_169, %dma_wait3A_180] : memref<16384x128xf32, #tpu.memory_space<hbm>> -> memref<64x128xf32, #tpu.memory_space<hbm>>
    tpu.wait_dma2 semaphore(%arg12 : memref<!tpu.dma_semaphore, #tpu.memory_space<semaphore_mem>>) src(%arg7 : memref<64x128xf32, #tpu.memory_space<vmem>>) dst(%dma_wait3A_181 : memref<64x128xf32, #tpu.memory_space<hbm>>)
    return
  }
}

</mosaic_0001>

<sc_bundles>
// kernel: kernel.3.cloned.1.call-start
scs
__scs_entry_jumppad:
0x0: {  	(pc) =	sbr.rel $0x88, $3  }
0x1: {  	(tag) =	ssettag $0x0;
	lr =	simm.s32 $0x1  }
0x2: {  	[smem:$0x3F9F] =	sst lr;
	_ =	strace $0xD0000000  }
0x3: {  	_ = 	snop  }
0x4: {  	_ = 	snop  }
0x5: {  	_ = 	snop  }
0x6: {  	_ = 	snop  }
0x7: {  	_ = 	snop  }
__scs_overlays_trampoline_lowered:
0x8: {  	[smem:$0x3FAE] =	sst s0  }
0x9: {  	[smem:$0x3FAF] =	sst s1  }
0xa: {  	[smem:$0x3FB0] =	sst s2  }
0xb: {  	[smem:$0x3FB1] =	sst s3  }
0xc: {  	[smem:$0x3FB2] =	sst s4  }
0xd: {  	[smem:$0x3FB3] =	sst s5  }
0xe: {  	[smem:$0x3FB4] =	sst s6  }
0xf: {  	[smem:$0x3FB5] =	sst s7  }
0x10: {  	[smem:$0x3FB6] =	sst s8  }
0x11: {  	[smem:$0x3FB7] =	sst s9;
	s0 =	simm.s32 @!p0 $0x0  }
0x12: {  	s1 =	sld [smem:$0x3F9D];
	s0 =	simm.s32 @p0 $0x1  }
0x13: {  	[smem:$0x3FB8] =	sst s0;
	s0 =	simm.s32 @!p1 $0x0  }
0x14: {  	s2 =	sld [smem:$0x3F9C];
	s0 =	simm.s32 @p1 $0x1  }
0x15: {  	[smem:$0x3FB9] =	sst s0;
	s0 =	simm.s32 @!p2 $0x0  }
0x16: {  	s3 =	sld [smem:$0x3FDB];
	s0 =	simm.s32 @p2 $0x1  }
0x17: {  	s4 =	simm.s32 $0x1BF5;
	[smem:$0x3FBB] =	sst s0  }
0x18: {  	s0 =	sld [smem:$0x3F9E];
	_ =	swait.ge [sflag:s4], $0x0  }
0x19: {  	s7 =	sld [smem:$0x3F9F]  }
0x1a: {  	s8 =	sadd.s32 $0xFFFFE003, lr  }
0x1b: {  	s9 =	sadd.s32 $0xFFFFFEF7, lr;
	s5 =	simm.s32 $0xFFFFFFFF;
	p2 =	slt.u32 s8, $0xFFFFF086  }
0x1c: {  	p1 =	slt.u32 s9, $0xF7A;
	s5 =	simm.s32 @!p2 $0x0  }
0x1d: {  	s5 =	simm.s32 @p1 $0x1;
	p0 =	seq.s32 s7, s2  }
0x1e: {  	s7 =	smul.u32 @!p0 $0xF7A, s2;
	p2 =	seq.s32 @!p0 s5, $0x0  }
0x1f: {  	s9 =	smul.u32 $0xF7A, s1;
	s8 =	simm.s32 @!p0 $0x1BF5;
	p2 =	por !p2, p0  }
0x20: {  	[sflag:s8] =	ssyncset.s32 @!p0 $0xFFFFF086;
	s6 =	sadd.s32 @!p0 s3, s7;
	s7 =	simm.s32 @!p0 $0x108  }
0x21: {  	s3 =	sadd.s32 s3, s9;
	s6 =	sadd.s32 @!p0 $0x88, s6;
	s7 =	simm.s32 @p2 $0x1082  }
0x22: {  	[simem:s7], [sflag:s8] =	dma.local @!p0 [hbm:s6], $0xF7A  }
0x23: {  	s9 =	sor.u32 $0xD0000000, s2;
	s6 =	simm.s32 $0x108;
	_ =	swait.ge @!p0 [sflag:s8], $0x0  }
0x24: {  	s3 =	sadd.s32 $0x88, s3;
	s6 =	simm.s32 @!p1 $0x1082;
	[sflag:s4] =	ssyncset.s32 $0xFFFFF086  }
0x25: {  	[simem:s6], [sflag:s4] =	dma.local [hbm:s3], $0xF7A  }
0x26: {  	[smem:$0x3F9F] =	sst s1;
	(tag) =	ssettag s2;
	_ =	strace s9  }
0x27: {  	s1 =	sld [smem:$0x3FAF]  }
0x28: {  	s2 =	sld [smem:$0x3FB0]  }
0x29: {  	s4 =	sld [smem:$0x3FB2]  }
0x2a: {  	p0 =	seq.s32 s5, $0x0;
	s5 =	sld [smem:$0x3FB3]  }
0x2b: {  	s6 =	sld [smem:$0x3FB4]  }
0x2c: {  	s7 =	sld [smem:$0x3FB5]  }
0x2d: {  	s3 =	simm.s32 $0x108;
	s8 =	sld [smem:$0x3FB6]  }
0x2e: {  	s3 =	simm.s32 @!p0 $0x1082;
	s9 =	sld [smem:$0x3FB7]  }
0x2f: {  	lr =	sadd.s32 s0, s3;
	s0 =	sld [smem:$0x3FAE]  }
0x30: {  	s3 =	sld [smem:$0x3FB1]  }
0x31: {  	[smem:$0x3FBA] =	sst s10  }
0x32: {  	s10 =	sld [smem:$0x3FB8];
	_ =	sdelay $0x3  }
0x33: {  	p0 =	seq.s32 s10, $0x1;
	s10 =	sld [smem:$0x3FBA];
	_ =	sdelay $0x3  }
0x34: {  	[smem:$0x3FBA] =	sst s10  }
0x35: {  	s10 =	sld [smem:$0x3FB9];
	_ =	sdelay $0x3  }
0x36: {  	p1 =	seq.s32 s10, $0x1;
	s10 =	sld [smem:$0x3FBA];
	_ =	sdelay $0x3  }
0x37: {  	[smem:$0x3FBA] =	sst s10  }
0x38: {  	s10 =	sld [smem:$0x3FBB]  }
0x39: {  	_ = 	snop;
	(pc) =	sbr.ind lr, $3  }
0x3a: {  	_ = 	snop  }
0x3b: {  	_ = 	snop  }
0x3c: {  	p2 =	seq.s32 s10, $0x1;
	s10 =	sld [smem:$0x3FBA]  }
0x3d: {  	_ =	shalt  }
0x3e: {  	_ =	shalt  }
0x3f: {  	_ =	shalt  }
0x40: {  	_ =	shalt  }
0x41: {  	_ =	shalt  }
0x42: {  	_ =	shalt  }
0x43: {  	_ =	shalt  }
0x44: {  	_ =	shalt  }
0x45: {  	_ =	shalt  }
0x46: {  	_ =	shalt  }
0x47: {  	_ =	shalt  }
0x48: {  	_ =	shalt  }
0x49: {  	_ =	shalt  }
0x4a: {  	_ =	shalt  }
0x4b: {  	_ =	shalt  }
0x4c: {  	_ =	shalt  }
0x4d: {  	_ =	shalt  }
0x4e: {  	_ =	shalt  }
0x4f: {  	_ =	shalt  }
0x50: {  	_ =	shalt  }
0x51: {  	_ =	shalt  }
0x52: {  	_ =	shalt  }
0x53: {  	_ =	shalt  }
0x54: {  	_ =	shalt  }
0x55: {  	_ =	shalt  }
0x56: {  	_ =	shalt  }
0x57: {  	_ =	shalt  }
0x58: {  	_ =	shalt  }
0x59: {  	_ =	shalt  }
0x5a: {  	_ =	shalt  }
0x5b: {  	_ =	shalt  }
0x5c: {  	_ =	shalt  }
0x5d: {  	_ =	shalt  }
0x5e: {  	_ =	shalt  }
0x5f: {  	_ =	shalt  }
0x60: {  	_ =	shalt  }
0x61: {  	_ =	shalt  }
0x62: {  	_ =	shalt  }
0x63: {  	_ =	shalt  }
0x64: {  	_ =	shalt  }
0x65: {  	_ =	shalt  }
0x66: {  	_ =	shalt  }
0x67: {  	_ =	shalt  }
0x68: {  	_ =	shalt  }
0x69: {  	_ =	shalt  }
0x6a: {  	_ =	shalt  }
0x6b: {  	_ =	shalt  }
0x6c: {  	_ =	shalt  }
0x6d: {  	_ =	shalt  }
0x6e: {  	_ =	shalt  }
0x6f: {  	_ =	shalt  }
0x70: {  	_ =	shalt  }
0x71: {  	_ =	shalt  }
0x72: {  	_ =	shalt  }
0x73: {  	_ =	shalt  }
0x74: {  	_ =	shalt  }
0x75: {  	_ =	shalt  }
0x76: {  	_ =	shalt  }
0x77: {  	_ =	shalt  }
0x78: {  	_ =	shalt  }
0x79: {  	_ =	shalt  }
0x7a: {  	_ =	shalt  }
0x7b: {  	_ =	shalt  }
0x7c: {  	_ =	shalt  }
0x7d: {  	_ =	shalt  }
0x7e: {  	_ =	shalt  }
0x7f: {  	_ =	shalt  }
0x80: {  	_ =	shalt  }
0x81: {  	_ =	shalt  }
0x82: {  	_ =	shalt  }
0x83: {  	_ =	shalt  }
0x84: {  	_ =	shalt  }
0x85: {  	_ =	shalt  }
0x86: {  	_ =	shalt  }
0x87: {  	_ =	shalt  }
.Lfunc_end0:
.L_simem_size_0:
called_computation_lowered:
.L_overlay_start_0:
0x88: {  	s2 =	sld [smem:$0x3FD9]  }
0x89: {  	s3 =	sld [smem:$0x3FFE];
	_ =	sdelay $0x1  }
0x8a: {  	s1 =	srdreg.scid  }
0x8b: {  	s0 =	sand.u32 $0x1, s1  }
0x8c: {  	s18 =	sshll.u32 s0, $0xA;
	s2 =	sadd.s32 s3, s2  }
0x8d: {  	s2 =	sadd.s32 s2, s18  }
0x8e: {  	[smem:$0x3FC6] =	sst s2  }
0x8f: {  	_ = 	snop  }
0x90: {  	s2 =	sld [smem:$0x3FC9]  }
0x91: {  	s19 =	sld [smem:$0x3FC8]  }
0x92: {  	s4 =	sld [smem:$0x3FD0];
	(tm) =	ssettm $0x1  }
0x93: {  	s5 =	sld [smem:$0x3FFB];
	_ =	sdelay $0x3  }
0x94: {  	_ =	strace s5  }
0x95: {  	s5 =	sld [smem:$0x3FFC];
	_ =	sdelay $0x3  }
0x96: {  	_ =	strace s5  }
0x97: {  	s5 =	sld [smem:$0x3FFD];
	_ =	sdelay $0x3  }
0x98: {  	_ =	strace s5  }
0x99: {  	_ =	strace $0x8FFFFFFF  }
0x9a: {  	s20 =	sld [smem:$0x3FDB];
	_ =	sdelay $0x1  }
0x9b: {  	s6 =	simm.s32 $_scs_section_size  }
0x9c: {  	s7 =	simm.s32 $_size__tile_overlayer_lowered;
	s8 =	simm.s32 $_tile_overlayer_lowered  }
0x9d: {  	s23 =	simm.s32 $0x1BFF;
	s22 =	sshll.u32 s8, $0x1;
	s5 =	sadd.s32 s6, s20  }
0x9e: {  	s9 =	simm.s32 $0x0;
	s21 =	sshll.u32 s7, $0x1;
	s7 =	sadd.s32 s22, s5  }
0x9f: {  	[timem:s9], [sflag:s23] =	dma.local [hbm:s7], s21  }
0xa0: {  	_ =	swait.ge [sflag:s23], s21  }
0xa1: {  	s6 =	ssub.s32 $0x0, s21;
	[sflag:s23] =	ssyncset.done $0x0  }
0xa2: {  	[sflag:s23] =	ssyncadd.s32 s6;
	_ =	sdelay $0x1  }
0xa3: {  	s24 =	simm.s32 $0x1B8B  }
0xa4: {  	_ =	swait.ge [sflag:s24], $0x1  }
0xa5: {  	[sflag:s24] =	ssyncset.done $0x0  }
0xa6: {  	s25 =	simm.s32 $0x1B8E;
	[sflag:s24] =	ssyncadd.s32 $0xFFFFFFFF  }
0xa7: {  	s26 =	simm.s32 $execute0_lowered;
	[smem:$0x3FD2] =	sst s25  }
0xa8: {  	s6 =	sshll.u32 s26, $0x1;
	_ =	strace $0x80000046;
	[dreg:$0x1] =	wrdreg $0xFFFFFFFF  }
0xa9: {  	s28 =	simm.s32 $_size_execute0_lowered;
	s5 =	sadd.s32 s5, s6;
	[dreg:$0x0] =	wrdreg $0x0  }
0xaa: {  	s6 =	sshll.u32 s28, $0x1;
	[dreg:$0x2] =	wrdreg s5  }
0xab: {  	[dreg:$0x3] =	wrdreg s6  }
0xac: {  	[dreg:$0x4] =	wrdreg $0xC0  }
0xad: {  	_ =	task [dreg:s9], $0x5FFFF  }
0xae: {  	[dreg:$0x1] =	wrdreg $0xFFFFFFFF  }
0xaf: {  	[dreg:$0x0] =	wrdreg $0x60  }
0xb0: {  	[dreg:$0x2] =	wrdreg s2  }
0xb1: {  	[dreg:$0x3] =	wrdreg s19  }
0xb2: {  	[dreg:$0x4] =	wrdreg s4  }
0xb3: {  	[dreg:$0x5] =	wrdreg $0x42000  }
0xb4: {  	[dreg:$0x6] =	wrdreg $0x9  }
0xb5: {  	_ =	task.clear_ibuf [dreg:s9], $0x7FFFF;
	_ =	strace $0x90000046  }
0xb6: {  	s29 =	simm.s32 $0x9;
	_ =	strace $0x80000048  }
0xb7: {  	_ =	swait.ge [sflag:s29], $0x1  }
0xb8: {  	[sflag:s29] =	ssyncadd.s32 $0xFFFFFFFF  }
0xb9: {  	_ =	strace $0x90000048  }
0xba: {  	_ =	sfence  }
0xbb: {  	s30 =	sld [smem:$0x0];
	_ =	sdelay $0x2  }
0xbc: {  	s31 =	sshll.u32 s1, $0xD;
	s1 =	sshrl.u32 s1, $0x2  }
0xbd: {  	s3 =	sand.u32 $0x4000, s31;
	s1 =	sadd.s32 s1, s30  }
0xbe: {  	s0 =	sor.u32 s3, s0;
	s1 =	sshll.u32 s1, $0x11  }
0xbf: {  	s0 =	sor.u32 s1, s0  }
0xc0: {  	s0 =	sadd.s32 $0x8F2B, s0  }
0xc1: {  	[sflag:s0] =	ssyncadd.remote.s32 $0x1  }
0xc2: {  	_ =	sfence.sel $0xFFFF  }
0xc3: {  	[dreg:$0x0] =	wrdreg $0xFFFFFFFF;
	(pc) =	sbr.abs _section_cstart, $3  }
0xc4: {  	[dreg:$0x1] =	wrdreg $0xFFFFFFFF  }
0xc5: {  	_ =	task.clear_ibuf [dreg:s9], $0x2FFFF;
	_ =	strace $0x9FFFFFFF  }
0xc6: {  	(tm) =	ssettm $0x7FFFFFFF  }
0xc7: {  	_ =	shalt  }
tec
execute0_lowered:
.L_overlay_start_1:
0x0: {  	(tag) =	ssettag $0x1  }
0x1: {  	s6 =	rddreg [dreg:$0x0];
	s2 =	srdreg.scid  }
0x2: {  	s0 =	rddreg [dreg:$0x1];
	s3 =	stileid.u32;
	s30 =	sand.u32 $0x1, s2  }
0x3: {  	s17 =	rddreg [dreg:$0x2];
	s4 =	sshll.u32 s3, $0xA;
	s5 =	sshll.u32 s30, $0x9  }
0x4: {  	[dreg:$0x5] =	wrdreg s0;
	s2 =	simm.s32 $0x0;
	s13 =	sor.u32 s5, s4  }
0x5: {  	[smem:$0x7FF] =	sst s2;
	s18 =	sor.u32 $0x40, s13  }
0x6: {  	s1 =	rddreg [dreg:$0x3];
	_ =	strace $0x80000047;
	s26 =	sshrl.u32 s18, $0x3  }
0x7: {  	p0 =	sne.s32 s3, $0x0;
	s5 =	rddreg [dreg:$0x5];
	s4 =	sadd.s32 s6, s26  }
0x8: {  	s3 =	sshrl.u32 @!p0 s1, $0x3;
	[dreg:$0x6] =	wrdreg s4;
	s4 =	simm.s32 @!p0 $0x1C06  }
0x9: {  	[spmem:s3], [sflag:s4] =	dma.local @!p0 [hbm:s5], $0x800  }
0xa: {  	s8 =	sshrl.u32 s13, $0x3;
	s5 =	simm.s32 $0x40;
	s7 =	rddreg [dreg:$0x6]  }
0xb: {  	[tilespmem:s5], [sflag:$0x5] =	stream.linear.gather [hbm4b:s7+s2], $0x1C0, $0x38;
	[tilespmem:$0x4600] =	vst v63  }
0xc: {  	s6 =	sadd.s32 s6, s8;
	s7 =	simm.s32 $0x7  }
0xd: {  	[tilespmem:s2], [sflag:$0x7] =	stream.linear.gather [hbm4b:s6+s2], $0x40, $0x38;
	[tilespmem:$0x4600] =	vst v63  }
0xe: {  	_ =	swait.ge [sflag:s7], $0x40  }
0xf: {  	[sflag:s7] =	ssyncset.done $0x0  }
0x10: {  	s8 =	simm.s32 @!p0 $0x6;
	[sflag:s7] =	ssyncadd.s32 $0xFFFFFFC0  }
0x11: {  	_ =	swait.ge @!p0 [sflag:s8], $0x800  }
0x12: {  	[sflag:s8] =	ssyncset.done @!p0 $0x0  }
0x13: {  	[sflag:s8] =	ssyncadd.s32 @!p0 $0xFFFFF800  }
0x14: {  	s9 =	simm.s32 $0x200;
	s10 =	simm.s32 $0x5;
	[bflag:$0x0] =	sbarrier.arrive $0xFFFF  }
0x15: {  	[tilespmem:s9], [sflag:$0x1] =	stream.indirect.gather [spmem:s1], $0x80, s2, s5, $0xb8;
	[tilespmem:$0x4600] =	vst v63  }
0x16: {  	_ =	swait.ge [sflag:s10], $0x1C0  }
0x17: {  	[sflag:s10] =	ssyncset.done $0x0  }
0x18: {  	s11 =	simm.s32 $0x2200;
	s12 =	simm.s32 $0x1;
	[sflag:s10] =	ssyncadd.s32 $0xFFFFFE40  }
0x19: {  	[tilespmem:s11], [sflag:$0x2] =	stream.indirect.gather [spmem:s1], $0x80, s5, s5, $0xb8;
	[tilespmem:$0x4600] =	vst v63  }
0x1a: {  	_ =	swait.ge [sflag:s12], $0x2000  }
0x1b: {  	s13 =	sshll.u32 s13, $0x4;
	[sflag:s12] =	ssyncset.done $0x0  }
0x1c: {  	s14 =	simm.s32 $0x3;
	s13 =	sadd.s32 s17, s13;
	[sflag:s12] =	ssyncadd.s32 $0xFFFFE000  }
0x1d: {  	[hbm4b:s13+s2] =	stream.linear.scatter [tilespmem:s9], [sflag:$0x3], $0x2000, $0x38;
	[tilespmem:$0x4600] =	vst v63  }
0x1e: {  	_ =	swait.ge [sflag:s14], $0x2000  }
0x1f: {  	[sflag:s14] =	ssyncset.done $0x0  }
0x20: {  	s15 =	simm.s32 $0x80;
	s16 =	simm.s32 $0x2;
	[sflag:s14] =	ssyncadd.s32 $0xFFFFE000  }
0x21: {  	[tilespmem:s9], [sflag:$0x1] =	stream.indirect.gather [spmem:s1], $0x80, s15, s5, $0xb8;
	[tilespmem:$0x4600] =	vst v63  }
0x22: {  	_ =	swait.ge [sflag:s16], $0x2000  }
0x23: {  	s18 =	sshll.u32 s18, $0x4;
	[sflag:s16] =	ssyncset.done $0x0  }
0x24: {  	s18 =	sadd.s32 s17, s18;
	s17 =	simm.s32 $0x4;
	[sflag:s16] =	ssyncadd.s32 $0xFFFFE000  }
0x25: {  	[hbm4b:s18+s2] =	stream.linear.scatter [tilespmem:s11], [sflag:$0x4], $0x2000, $0x38;
	[tilespmem:$0x4600] =	vst v63  }
0x26: {  	_ =	swait.ge [sflag:s17], $0x2000  }
0x27: {  	[sflag:s17] =	ssyncset.done $0x0  }
0x28: {  	s19 =	simm.s32 $0xC0;
	[sflag:s17] =	ssyncadd.s32 $0xFFFFE000  }
0x29: {  	[tilespmem:s11], [sflag:$0x2] =	stream.indirect.gather [spmem:s1], $0x80, s19, s5, $0xb8;
	[tilespmem:$0x4600] =	vst v63  }
0x2a: {  	_ =	swait.ge [sflag:s12], $0x2000  }
0x2b: {  	[sflag:s12] =	ssyncset.done $0x0  }
0x2c: {  	s20 =	sadd.s32 $0x800, s13;
	[sflag:s12] =	ssyncadd.s32 $0xFFFFE000  }
0x2d: {  	[hbm4b:s20+s2] =	stream.linear.scatter [tilespmem:s9], [sflag:$0x3], $0x2000, $0x38;
	[tilespmem:$0x4600] =	vst v63  }
0x2e: {  	_ =	swait.ge [sflag:s14], $0x2000  }
0x2f: {  	[sflag:s14] =	ssyncset.done $0x0  }
0x30: {  	s21 =	simm.s32 $0x100;
	[sflag:s14] =	ssyncadd.s32 $0xFFFFE000  }
0x31: {  	[tilespmem:s9], [sflag:$0x1] =	stream.indirect.gather [spmem:s1], $0x80, s21, s5, $0xb8;
	[tilespmem:$0x4600] =	vst v63  }
0x32: {  	_ =	swait.ge [sflag:s16], $0x2000  }
0x33: {  	[sflag:s16] =	ssyncset.done $0x0  }
0x34: {  	s22 =	sadd.s32 $0xC00, s13;
	[sflag:s16] =	ssyncadd.s32 $0xFFFFE000  }
0x35: {  	[hbm4b:s22+s2] =	stream.linear.scatter [tilespmem:s11], [sflag:$0x4], $0x2000, $0x38;
	[tilespmem:$0x4600] =	vst v63  }
0x36: {  	_ =	swait.ge [sflag:s17], $0x2000  }
0x37: {  	[sflag:s17] =	ssyncset.done $0x0  }
0x38: {  	s23 =	simm.s32 $0x140;
	[sflag:s17] =	ssyncadd.s32 $0xFFFFE000  }
0x39: {  	[tilespmem:s11], [sflag:$0x2] =	stream.indirect.gather [spmem:s1], $0x80, s23, s5, $0xb8;
	[tilespmem:$0x4600] =	vst v63  }
0x3a: {  	_ =	swait.ge [sflag:s12], $0x2000  }
0x3b: {  	[sflag:s12] =	ssyncset.done $0x0  }
0x3c: {  	s24 =	sadd.s32 $0x1000, s13;
	[sflag:s12] =	ssyncadd.s32 $0xFFFFE000  }
0x3d: {  	[hbm4b:s24+s2] =	stream.linear.scatter [tilespmem:s9], [sflag:$0x3], $0x2000, $0x38;
	[tilespmem:$0x4600] =	vst v63  }
0x3e: {  	_ =	swait.ge [sflag:s14], $0x2000  }
0x3f: {  	[sflag:s14] =	ssyncset.done $0x0  }
0x40: {  	s25 =	simm.s32 $0x180;
	[sflag:s14] =	ssyncadd.s32 $0xFFFFE000  }
0x41: {  	[tilespmem:s9], [sflag:$0x1] =	stream.indirect.gather [spmem:s1], $0x80, s25, s5, $0xb8;
	[tilespmem:$0x4600] =	vst v63  }
0x42: {  	_ =	swait.ge [sflag:s16], $0x2000  }
0x43: {  	[sflag:s16] =	ssyncset.done $0x0  }
0x44: {  	s26 =	sadd.s32 $0x1400, s13;
	[sflag:s16] =	ssyncadd.s32 $0xFFFFE000  }
0x45: {  	[hbm4b:s26+s2] =	stream.linear.scatter [tilespmem:s11], [sflag:$0x4], $0x2000, $0x38;
	[tilespmem:$0x4600] =	vst v63  }
0x46: {  	_ =	swait.ge [sflag:s17], $0x2000  }
0x47: {  	[sflag:s17] =	ssyncset.done $0x0  }
0x48: {  	s28 =	simm.s32 $0x1C0;
	[sflag:s17] =	ssyncadd.s32 $0xFFFFE000  }
0x49: {  	[tilespmem:s11], [sflag:$0x2] =	stream.indirect.gather [spmem:s1], $0x80, s28, s5, $0xb8;
	[tilespmem:$0x4600] =	vst v63  }
0x4a: {  	s31 =	ssub.s32 $0x2, s30;
	_ =	swait.ge [sflag:s12], $0x2000  }
0x4b: {  	s0 =	sshrl.u32 s31, $0x1;
	[sflag:s12] =	ssyncset.done $0x0  }
0x4c: {  	s0 =	ssub.s32 s31, s0;
	s29 =	sadd.s32 $0x1800, s13;
	[sflag:s12] =	ssyncadd.s32 $0xFFFFE000  }
0x4d: {  	[hbm4b:s29+s2] =	stream.linear.scatter [tilespmem:s9], [sflag:$0x3], $0x2000, $0x38;
	[tilespmem:$0x4600] =	vst v63  }
0x4e: {  	s0 =	smax.u32 s0, $0x1;
	_ =	swait.ge [sflag:s16], $0x2000  }
0x4f: {  	s31 =	sadd.s32 $0xFFFFFFFF, s0;
	[sflag:s16] =	ssyncset.done $0x0  }
0x50: {  	s30 =	sadd.s32 $0x1C00, s13;
	p1 =	sne.s32 s31, $0x0;
	[sflag:s16] =	ssyncadd.s32 $0xFFFFE000  }
0x51: {  	[hbm4b:s30+s2] =	stream.linear.scatter [tilespmem:s11], [sflag:$0x4], $0x2000, $0x38;
	[tilespmem:$0x4600] =	vst v63  }
.Ltmp0:
0x52: {  	_ =	swait.ge [sflag:s14], $0x2000;
	(pc) =	sbr.rel @!p1 .LBB2_2-.Ltmp0, $4  }
0x53: {  	[sflag:s14] =	ssyncset.done $0x0  }
0x54: {  	[sflag:s14] =	ssyncadd.s32 $0xFFFFE000  }
0x55: {  	_ =	swait.ge [sflag:s17], $0x2000  }
0x56: {  	[sflag:s17] =	ssyncset.done $0x0  }
.LBB2_1:
0x57: {  	s0 =	rddreg [dreg:$0x5];
	[sflag:s17] =	ssyncadd.s32 $0xFFFFE000  }
0x58: {  	[spmem:s3], [sflag:s4] =	dma.local @!p0 [hbm:s0], $0x800  }
0x59: {  	s0 =	rddreg [dreg:$0x6]  }
0x5a: {  	[tilespmem:s5], [sflag:$0x5] =	stream.linear.gather [hbm4b:s0+s2], $0x1C0, $0x38;
	[tilespmem:$0x4600] =	vst v63  }
0x5b: {  	_ = 	snop  }
0x5c: {  	[tilespmem:s2], [sflag:$0x7] =	stream.linear.gather [hbm4b:s6+s2], $0x40, $0x38;
	[tilespmem:$0x4600] =	vst v63  }
0x5d: {  	_ =	swait.ge [sflag:s7], $0x40  }
0x5e: {  	[sflag:s7] =	ssyncset.done $0x0  }
0x5f: {  	[sflag:s7] =	ssyncadd.s32 $0xFFFFFFC0  }
0x60: {  	_ =	swait.ge @!p0 [sflag:s8], $0x800  }
0x61: {  	[sflag:s8] =	ssyncset.done @!p0 $0x0  }
0x62: {  	[sflag:s8] =	ssyncadd.s32 @!p0 $0xFFFFF800  }
0x63: {  	[bflag:$0x0] =	sbarrier.arrive $0xFFFF  }
0x64: {  	[tilespmem:s9], [sflag:$0x1] =	stream.indirect.gather [spmem:s1], $0x80, s2, s5, $0xb8;
	[tilespmem:$0x4600] =	vst v63  }
0x65: {  	_ =	swait.ge [sflag:s10], $0x1C0  }
0x66: {  	[sflag:s10] =	ssyncset.done $0x0  }
0x67: {  	[sflag:s10] =	ssyncadd.s32 $0xFFFFFE40  }
0x68: {  	[tilespmem:s11], [sflag:$0x2] =	stream.indirect.gather [spmem:s1], $0x80, s5, s5, $0xb8;
	[tilespmem:$0x4600] =	vst v63  }
0x69: {  	_ =	swait.ge [sflag:s12], $0x2000  }
0x6a: {  	[sflag:s12] =	ssyncset.done $0x0  }
0x6b: {  	[sflag:s12] =	ssyncadd.s32 $0xFFFFE000  }
0x6c: {  	[hbm4b:s13+s2] =	stream.linear.scatter [tilespmem:s9], [sflag:$0x3], $0x2000, $0x38;
	[tilespmem:$0x4600] =	vst v63  }
0x6d: {  	_ =	swait.ge [sflag:s14], $0x2000  }
0x6e: {  	[sflag:s14] =	ssyncset.done $0x0  }
0x6f: {  	[sflag:s14] =	ssyncadd.s32 $0xFFFFE000  }
0x70: {  	[tilespmem:s9], [sflag:$0x1] =	stream.indirect.gather [spmem:s1], $0x80, s15, s5, $0xb8;
	[tilespmem:$0x4600] =	vst v63  }
0x71: {  	_ =	swait.ge [sflag:s16], $0x2000  }
0x72: {  	[sflag:s16] =	ssyncset.done $0x0  }
0x73: {  	[sflag:s16] =	ssyncadd.s32 $0xFFFFE000  }
0x74: {  	[hbm4b:s18+s2] =	stream.linear.scatter [tilespmem:s11], [sflag:$0x4], $0x2000, $0x38;
	[tilespmem:$0x4600] =	vst v63  }
0x75: {  	_ =	swait.ge [sflag:s17], $0x2000  }
0x76: {  	[sflag:s17] =	ssyncset.done $0x0  }
0x77: {  	[sflag:s17] =	ssyncadd.s32 $0xFFFFE000  }
0x78: {  	[tilespmem:s11], [sflag:$0x2] =	stream.indirect.gather [spmem:s1], $0x80, s19, s5, $0xb8;
	[tilespmem:$0x4600] =	vst v63  }
0x79: {  	_ =	swait.ge [sflag:s12], $0x2000  }
0x7a: {  	[sflag:s12] =	ssyncset.done $0x0  }
0x7b: {  	[sflag:s12] =	ssyncadd.s32 $0xFFFFE000  }
0x7c: {  	[hbm4b:s20+s2] =	stream.linear.scatter [tilespmem:s9], [sflag:$0x3], $0x2000, $0x38;
	[tilespmem:$0x4600] =	vst v63  }
0x7d: {  	_ =	swait.ge [sflag:s14], $0x2000  }
0x7e: {  	[sflag:s14] =	ssyncset.done $0x0  }
0x7f: {  	[sflag:s14] =	ssyncadd.s32 $0xFFFFE000  }
0x80: {  	[tilespmem:s9], [sflag:$0x1] =	stream.indirect.gather [spmem:s1], $0x80, s21, s5, $0xb8;
	[tilespmem:$0x4600] =	vst v63  }
0x81: {  	_ =	swait.ge [sflag:s16], $0x2000  }
0x82: {  	[sflag:s16] =	ssyncset.done $0x0  }
0x83: {  	[sflag:s16] =	ssyncadd.s32 $0xFFFFE000  }
0x84: {  	[hbm4b:s22+s2] =	stream.linear.scatter [tilespmem:s11], [sflag:$0x4], $0x2000, $0x38;
	[tilespmem:$0x4600] =	vst v63  }
0x85: {  	_ =	swait.ge [sflag:s17], $0x2000  }
0x86: {  	[sflag:s17] =	ssyncset.done $0x0  }
0x87: {  	[sflag:s17] =	ssyncadd.s32 $0xFFFFE000  }
0x88: {  	[tilespmem:s11], [sflag:$0x2] =	stream.indirect.gather [spmem:s1], $0x80, s23, s5, $0xb8;
	[tilespmem:$0x4600] =	vst v63  }
0x89: {  	_ =	swait.ge [sflag:s12], $0x2000  }
0x8a: {  	[sflag:s12] =	ssyncset.done $0x0  }
0x8b: {  	[sflag:s12] =	ssyncadd.s32 $0xFFFFE000  }
0x8c: {  	[hbm4b:s24+s2] =	stream.linear.scatter [tilespmem:s9], [sflag:$0x3], $0x2000, $0x38;
	[tilespmem:$0x4600] =	vst v63  }
0x8d: {  	_ =	swait.ge [sflag:s14], $0x2000  }
0x8e: {  	[sflag:s14] =	ssyncset.done $0x0  }
0x8f: {  	[sflag:s14] =	ssyncadd.s32 $0xFFFFE000  }
0x90: {  	[tilespmem:s9], [sflag:$0x1] =	stream.indirect.gather [spmem:s1], $0x80, s25, s5, $0xb8;
	[tilespmem:$0x4600] =	vst v63  }
0x91: {  	_ =	swait.ge [sflag:s16], $0x2000  }
0x92: {  	[sflag:s16] =	ssyncset.done $0x0  }
0x93: {  	[sflag:s16] =	ssyncadd.s32 $0xFFFFE000  }
0x94: {  	[hbm4b:s26+s2] =	stream.linear.scatter [tilespmem:s11], [sflag:$0x4], $0x2000, $0x38;
	[tilespmem:$0x4600] =	vst v63  }
0x95: {  	_ =	swait.ge [sflag:s17], $0x2000  }
0x96: {  	[sflag:s17] =	ssyncset.done $0x0  }
0x97: {  	[sflag:s17] =	ssyncadd.s32 $0xFFFFE000  }
0x98: {  	[tilespmem:s11], [sflag:$0x2] =	stream.indirect.gather [spmem:s1], $0x80, s28, s5, $0xb8;
	[tilespmem:$0x4600] =	vst v63  }
0x99: {  	_ =	swait.ge [sflag:s12], $0x2000  }
0x9a: {  	[sflag:s12] =	ssyncset.done $0x0  }
0x9b: {  	[sflag:s12] =	ssyncadd.s32 $0xFFFFE000  }
0x9c: {  	[hbm4b:s29+s2] =	stream.linear.scatter [tilespmem:s9], [sflag:$0x3], $0x2000, $0x38;
	[tilespmem:$0x4600] =	vst v63  }
0x9d: {  	_ =	swait.ge [sflag:s16], $0x2000  }
0x9e: {  	s31 =	sadd.s32 $0xFFFFFFFF, s31;
	[sflag:s16] =	ssyncset.done $0x0  }
0x9f: {  	p1 =	sne.s32 s31, $0x0;
	[sflag:s16] =	ssyncadd.s32 $0xFFFFE000  }
0xa0: {  	[hbm4b:s30+s2] =	stream.linear.scatter [tilespmem:s11], [sflag:$0x4], $0x2000, $0x38;
	[tilespmem:$0x4600] =	vst v63  }
.Ltmp1:
0xa1: {  	_ =	swait.ge [sflag:s14], $0x2000;
	(pc) =	sbr.rel @p1 .LBB2_1-.Ltmp1, $4  }
0xa2: {  	[sflag:s14] =	ssyncset.done $0x0  }
0xa3: {  	[sflag:s14] =	ssyncadd.s32 $0xFFFFE000  }
0xa4: {  	_ =	swait.ge [sflag:s17], $0x2000  }
0xa5: {  	[sflag:s17] =	ssyncset.done $0x0  }
.LBB2_2:
0xa6: {  	[sflag:s17] =	ssyncadd.s32 $0xFFFFE000  }
0xa7: {  	_ =	sfence.sel $0x180000  }
0xa8: {  	[bflag:$0x0] =	sbarrier.arrive $0xFFFF  }
0xa9: {  	_ =	strace $0x90000047  }
0xaa: {  	[bflag:$0x2] =	sbarrier.arrive $0xFFFF  }
0xab: {  	s0 =	rddreg [dreg:$0x4]  }
0xac: {  	s0 =	sadd.s32 @!p0 $0x100000, s0  }
0xad: {  	[sflag:s0] =	ssyncadd.tile.s32 @!p0 $0x1;
	_ =	shalt  }
.Lfunc_end2:
_tile_overlayer_lowered:
.L_overlay_start_2:
0xae: {  	(tag) =	ssettag $0x2  }
0xaf: {  	s0 =	rddreg [dreg:$0x0];
	s2 =	stileid.u32  }
0xb0: {  	s1 =	rddreg [dreg:$0x1];
	p0 =	sne.s32 s2, $0x0  }
0xb1: {  	s3 =	rddreg [dreg:$0x2];
	[bflag:$0x3] =	sbarrier.arrive $0xFFFF;
	s2 =	simm.s32 @!p0 $0x1C07  }
0xb2: {  	[timem:s3], [sflag:s2] =	dma.local @!p0 [hbm:s0], s1  }
0xb3: {  	s0 =	simm.s32 @!p0 $0x7  }
0xb4: {  	_ =	swait.ge @!p0 [sflag:s0], s1  }
0xb5: {  	s1 =	ssub.s32 @!p0 $0x0, s1;
	[sflag:s0] =	ssyncset.done @!p0 $0x0  }
0xb6: {  	[sflag:s0] =	ssyncadd.s32 @!p0 s1  }
0xb7: {  	[bflag:$0x3] =	sbarrier.arrive $0xFFFF  }
0xb8: {  	_ =	shalt  }

</sc_bundles>
